<compile_context>
chip_gen: v7x
topology: tpu7x:2x2x1
jax: 0.10.2.dev20260603
libtpu: 0.0.44.dev20260713+nightly
codegen_flags: <defaults>
</compile_context>

<pallas_src>
import functools

import jax
import jax.numpy as jnp
from jax import lax
from jax.experimental import pallas as pl
from jax.experimental.pallas import tpu as pltpu
from jax.experimental.pallas import tpu_sc as plsc

B = 4096; L = 200; BEH = 2; D = 16; VB = 1000000; VS = 100000; NS = 26; ND = 13
DSEQ = BEH * D
ATT1 = 80; ATT2 = 40
F1 = 256; F2 = 128
DIN_IN = DSEQ + DSEQ + ND + NS * D

NW = 32
N_SEQ = B * L * BEH
N_SP = B * NS
N_IT = B * BEH
SEQ_PW = N_SEQ // NW
SP_PW = N_SP // NW
IT_PW = N_IT // NW
SEQ_CHUNK = 2048
SEQ_CHUNKS = SEQ_PW // SEQ_CHUNK


def _sc_gather_body(tbeh, tsp, idx_seq, oidx_seq, idx_sp, oidx_sp, idx_it, oidx_it,
                    out_seq, out_sp, out_it,
                    idxs_v, oidxs_v, rows_v, idxp_v, oidxp_v, rowp_v,
                    idxi_v, oidxi_v, rowi_v, sem):
    wid = lax.axis_index("s") * 2 + lax.axis_index("c")

    ibase = wid * IT_PW
    pltpu.sync_copy(idx_it.at[pl.ds(ibase, IT_PW)], idxi_v)
    pltpu.sync_copy(oidx_it.at[pl.ds(ibase, IT_PW)], oidxi_v)
    pltpu.async_copy(tbeh.at[idxi_v], rowi_v, sem).wait()
    pltpu.async_copy(rowi_v, out_it.at[oidxi_v], sem).wait()

    pbase = wid * SP_PW
    pltpu.sync_copy(idx_sp.at[pl.ds(pbase, SP_PW)], idxp_v)
    pltpu.sync_copy(oidx_sp.at[pl.ds(pbase, SP_PW)], oidxp_v)
    pltpu.async_copy(tsp.at[idxp_v], rowp_v, sem).wait()
    pltpu.async_copy(rowp_v, out_sp.at[oidxp_v], sem).wait()

    sbase = wid * SEQ_PW

    def chunk(i, carry):
        off = sbase + i * SEQ_CHUNK
        pltpu.sync_copy(idx_seq.at[pl.ds(off, SEQ_CHUNK)], idxs_v)
        pltpu.sync_copy(oidx_seq.at[pl.ds(off, SEQ_CHUNK)], oidxs_v)
        pltpu.async_copy(tbeh.at[idxs_v], rows_v, sem).wait()
        pltpu.async_copy(rows_v, out_seq.at[oidxs_v], sem).wait()
        return carry

    lax.fori_loop(0, SEQ_CHUNKS, chunk, 0)


@functools.partial(jax.jit, static_argnames=())
def _sc_gather(tbeh, tsp, idx_seq, oidx_seq, idx_sp, oidx_sp, idx_it, oidx_it):
    mesh = plsc.VectorSubcoreMesh(core_axis_name="c", subcore_axis_name="s")
    k = pl.kernel(
        _sc_gather_body,
        out_type=(
            jax.ShapeDtypeStruct((N_SEQ, D), jnp.float32),
            jax.ShapeDtypeStruct((N_SP, D), jnp.float32),
            jax.ShapeDtypeStruct((N_IT, D), jnp.float32),
        ),
        mesh=mesh,
        scratch_types=[
            pltpu.VMEM((SEQ_CHUNK,), jnp.int32),
            pltpu.VMEM((SEQ_CHUNK,), jnp.int32),
            pltpu.VMEM((SEQ_CHUNK, D), jnp.float32),
            pltpu.VMEM((SP_PW,), jnp.int32),
            pltpu.VMEM((SP_PW,), jnp.int32),
            pltpu.VMEM((SP_PW, D), jnp.float32),
            pltpu.VMEM((IT_PW,), jnp.int32),
            pltpu.VMEM((IT_PW,), jnp.int32),
            pltpu.VMEM((IT_PW, D), jnp.float32),
            pltpu.SemaphoreType.DMA,
        ],
        compiler_params=pltpu.CompilerParams(use_tc_tiling_on_sc=False),
    )
    return k(tbeh, tsp, idx_seq, oidx_seq, idx_sp, oidx_sp, idx_it, oidx_it)


BT = 128
GRID_A = B // BT


def _att_body(ids_ref, seq_ref, item_ref, dense_ref, sp_ref,
              wq_ref, ws_ref, wm_ref, b1_ref, w2_ref, b2_ref, w3_ref, b3_ref,
              user_ref, su_ref, si_ref, sd_ref, ss_ref):
    i = pl.program_id(0)
    seq3 = seq_ref[...]
    item = item_ref[...]
    q3 = jnp.broadcast_to(item[:, None, :], (BT, L, DSEQ))
    seq2 = seq3.reshape(BT * L, DSEQ)
    qs2 = (q3 * seq3).reshape(BT * L, DSEQ)
    qh = jnp.dot(item, wq_ref[...], preferred_element_type=jnp.float32) + b1_ref[...]
    h1 = (jnp.dot(seq2, ws_ref[...], preferred_element_type=jnp.float32)
          + jnp.dot(qs2, wm_ref[...], preferred_element_type=jnp.float32))
    h1 = jnp.maximum(h1.reshape(BT, L, ATT1) + qh[:, None, :], 0.0)
    h2 = jnp.dot(h1.reshape(BT * L, ATT1), w2_ref[...],
                 preferred_element_type=jnp.float32) + b2_ref[...]
    h2 = jnp.maximum(h2, 0.0).reshape(BT, L, ATT2)
    scores = jnp.sum(h2 * w3_ref[...][None, :, :], axis=-1) + b3_ref[0, 0]
    mask = jnp.transpose(ids_ref[...]) != 0
    scores = jnp.where(mask, scores, -4294967295.0)
    m = jnp.max(scores, axis=-1, keepdims=True)
    e = jnp.exp(scores - m)
    w = e / jnp.sum(e, axis=-1, keepdims=True)
    user = jnp.sum(w[:, :, None] * seq3, axis=1)
    user_ref[...] = user

    @pl.when(i == 0)
    def _init():
        su_ref[...] = jnp.zeros_like(su_ref)
        si_ref[...] = jnp.zeros_like(si_ref)
        sd_ref[...] = jnp.zeros_like(sd_ref)
        ss_ref[...] = jnp.zeros_like(ss_ref)

    dense = dense_ref[...]
    sp = sp_ref[...]
    su_ref[0:1, :] += jnp.sum(user, axis=0, keepdims=True)
    su_ref[1:2, :] += jnp.sum(user * user, axis=0, keepdims=True)
    si_ref[0:1, :] += jnp.sum(item, axis=0, keepdims=True)
    si_ref[1:2, :] += jnp.sum(item * item, axis=0, keepdims=True)
    sd_ref[0:1, :] += jnp.sum(dense, axis=0, keepdims=True)
    sd_ref[1:2, :] += jnp.sum(dense * dense, axis=0, keepdims=True)
    ss_ref[0:1, :] += jnp.sum(sp, axis=0, keepdims=True)
    ss_ref[1:2, :] += jnp.sum(sp * sp, axis=0, keepdims=True)


def _attention(ids, seq3, item, dense, sp, wq, ws, wm, b1, w2, b2, w3, b3):
    wspec = lambda shape: pl.BlockSpec(shape, lambda i: (0,) * len(shape))
    return pl.pallas_call(
        _att_body,
        grid=(GRID_A,),
        in_specs=[
            pl.BlockSpec((L, BT), lambda i: (0, i)),
            pl.BlockSpec((BT, L, DSEQ), lambda i: (i, 0, 0)),
            pl.BlockSpec((BT, DSEQ), lambda i: (i, 0)),
            pl.BlockSpec((BT, ND), lambda i: (i, 0)),
            pl.BlockSpec((BT, NS * D), lambda i: (i, 0)),
            wspec((DSEQ, ATT1)), wspec((DSEQ, ATT1)), wspec((DSEQ, ATT1)),
            wspec((1, ATT1)), wspec((ATT1, ATT2)), wspec((1, ATT2)),
            wspec((1, ATT2)), wspec((1, 1)),
        ],
        out_specs=[
            pl.BlockSpec((BT, DSEQ), lambda i: (i, 0)),
            pl.BlockSpec((2, DSEQ), lambda i: (0, 0)),
            pl.BlockSpec((2, DSEQ), lambda i: (0, 0)),
            pl.BlockSpec((2, ND), lambda i: (0, 0)),
            pl.BlockSpec((2, NS * D), lambda i: (0, 0)),
        ],
        out_shape=[
            jax.ShapeDtypeStruct((B, DSEQ), jnp.float32),
            jax.ShapeDtypeStruct((2, DSEQ), jnp.float32),
            jax.ShapeDtypeStruct((2, DSEQ), jnp.float32),
            jax.ShapeDtypeStruct((2, ND), jnp.float32),
            jax.ShapeDtypeStruct((2, NS * D), jnp.float32),
        ],
    )(ids, seq3, item, dense, sp, wq, ws, wm, b1, w2, b2, w3, b3)


BT2 = 512
GRID_B = B // BT2


def _mlp_body(user_ref, item_ref, dense_ref, sp_ref,
              su_ref, si_ref, sd_ref, ss_ref,
              gu_ref, gi_ref, gd_ref, gs_ref,
              bu_ref, bi_ref, bd_ref, bs_ref,
              w1u_ref, w1i_ref, w1d_ref, w1s_ref, b1_ref, a1_ref,
              w2_ref, b2_ref, a2_ref, wf_ref, bf_ref, out_ref):
    inv_b = 1.0 / B

    def norm(x, s_ref, g_ref, b_ref):
        mu = s_ref[0:1, :] * inv_b
        var = s_ref[1:2, :] * inv_b - mu * mu
        return g_ref[...] * (x - mu) * lax.rsqrt(var + 1e-3) + b_ref[...]

    xu = norm(user_ref[...], su_ref, gu_ref, bu_ref)
    xi = norm(item_ref[...], si_ref, gi_ref, bi_ref)
    xd = norm(dense_ref[...], sd_ref, gd_ref, bd_ref)
    xs = norm(sp_ref[...], ss_ref, gs_ref, bs_ref)
    h = (jnp.dot(xu, w1u_ref[...], preferred_element_type=jnp.float32)
         + jnp.dot(xi, w1i_ref[...], preferred_element_type=jnp.float32)
         + jnp.dot(xd, w1d_ref[...], preferred_element_type=jnp.float32)
         + jnp.dot(xs, w1s_ref[...], preferred_element_type=jnp.float32)
         + b1_ref[...])
    h = jnp.maximum(h, 0.0) + a1_ref[...] * jnp.minimum(h, 0.0)
    h = jnp.dot(h, w2_ref[...], preferred_element_type=jnp.float32) + b2_ref[...]
    h = jnp.maximum(h, 0.0) + a2_ref[...] * jnp.minimum(h, 0.0)
    o = jnp.dot(h, wf_ref[...], preferred_element_type=jnp.float32) + bf_ref[0, 0]
    out_ref[...] = 1.0 / (1.0 + jnp.exp(-o))


def _mlp(user, item, dense, sp, su, si, sd, ss, gb, w1p, b1, a1, w2, b2, a2, wf, bf):
    gu, gi, gd, gs, bu, bi, bd, bs = gb
    w1u, w1i, w1d, w1s = w1p
    wspec = lambda shape: pl.BlockSpec(shape, lambda i: (0,) * len(shape))
    return pl.pallas_call(
        _mlp_body,
        grid=(GRID_B,),
        in_specs=[
            pl.BlockSpec((BT2, DSEQ), lambda i: (i, 0)),
            pl.BlockSpec((BT2, DSEQ), lambda i: (i, 0)),
            pl.BlockSpec((BT2, ND), lambda i: (i, 0)),
            pl.BlockSpec((BT2, NS * D), lambda i: (i, 0)),
            wspec((2, DSEQ)), wspec((2, DSEQ)), wspec((2, ND)), wspec((2, NS * D)),
            wspec((1, DSEQ)), wspec((1, DSEQ)), wspec((1, ND)), wspec((1, NS * D)),
            wspec((1, DSEQ)), wspec((1, DSEQ)), wspec((1, ND)), wspec((1, NS * D)),
            wspec((DSEQ, F1)), wspec((DSEQ, F1)), wspec((ND, F1)), wspec((NS * D, F1)),
            wspec((1, F1)), wspec((1, F1)),
            wspec((F1, F2)), wspec((1, F2)), wspec((1, F2)),
            wspec((F2, 1)), wspec((1, 1)),
        ],
        out_specs=pl.BlockSpec((BT2, 1), lambda i: (i, 0)),
        out_shape=jax.ShapeDtypeStruct((B, 1), jnp.float32),
    )(user, item, dense, sp, su, si, sd, ss, gu, gi, gd, gs, bu, bi, bd, bs,
      w1u, w1i, w1d, w1s, b1, a1, w2, b2, a2, wf, bf)


def kernel(dense_inputs, sparse_inputs, seq_inputs, item_inputs, W_beh, W_sparse,
           W_att1, b_att1, W_att2, b_att2, W_att3, b_att3, gamma, beta,
           W_f1, b_f1, a1, W_f2, b_f2, a2, W_final, b_final):
    tbeh = W_beh.reshape(BEH * VB, D)
    tsp = W_sparse.reshape(NS * VS, D)
    beh_off = (jnp.arange(BEH, dtype=jnp.int32) * VB)
    bcol = jnp.arange(B, dtype=jnp.int32)[None, :]
    NBT = B // 128
    seq4 = seq_inputs.astype(jnp.int32).reshape(NBT, 128, L, BEH).transpose(2, 0, 3, 1)
    idx_seq = (seq4 + beh_off[None, None, :, None]).reshape(-1)
    l_ = jnp.arange(L, dtype=jnp.int32)[:, None, None, None]
    bt_ = jnp.arange(NBT, dtype=jnp.int32)[None, :, None, None]
    beh_ = jnp.arange(BEH, dtype=jnp.int32)[None, None, :, None]
    bl_ = jnp.arange(128, dtype=jnp.int32)[None, None, None, :]
    oidx_seq = ((bt_ * 128 + bl_) * (L * BEH) + l_ * BEH + beh_).reshape(-1)
    idx_it = (item_inputs.astype(jnp.int32).T + beh_off[:, None]).reshape(-1)
    oidx_it = (bcol * BEH + jnp.arange(BEH, dtype=jnp.int32)[:, None]).reshape(-1)
    sp_off = (jnp.arange(NS, dtype=jnp.int32) * VS)
    idx_sp = (sparse_inputs.astype(jnp.int32).T + sp_off[:, None]).reshape(-1)
    oidx_sp = (bcol * NS + jnp.arange(NS, dtype=jnp.int32)[:, None]).reshape(-1)

    rows_seq, rows_sp, rows_it = _sc_gather(
        tbeh, tsp, idx_seq, oidx_seq, idx_sp, oidx_sp, idx_it, oidx_it)
    seq3 = rows_seq.reshape(B, L, DSEQ)
    item = rows_it.reshape(B, DSEQ)
    sp = rows_sp.reshape(B, NS * D)

    W1 = W_att1
    wq = W1[0:DSEQ] + W1[2 * DSEQ:3 * DSEQ]
    ws = W1[DSEQ:2 * DSEQ] - W1[2 * DSEQ:3 * DSEQ]
    wm = W1[3 * DSEQ:4 * DSEQ]
    ids = seq_inputs[:, :, 0].astype(jnp.int32).T

    user, su, si, sd, ss = _attention(
        ids, seq3, item, dense_inputs, sp,
        wq, ws, wm, b_att1.reshape(1, ATT1), W_att2, b_att2.reshape(1, ATT2),
        W_att3.reshape(1, ATT2), b_att3.reshape(1, 1))

    o0, o1, o2, o3 = 0, DSEQ, 2 * DSEQ, 2 * DSEQ + ND
    gb = (gamma[o0:o1].reshape(1, -1), gamma[o1:o2].reshape(1, -1),
          gamma[o2:o3].reshape(1, -1), gamma[o3:].reshape(1, -1),
          beta[o0:o1].reshape(1, -1), beta[o1:o2].reshape(1, -1),
          beta[o2:o3].reshape(1, -1), beta[o3:].reshape(1, -1))
    w1p = (W_f1[o0:o1], W_f1[o1:o2], W_f1[o2:o3], W_f1[o3:])

    return _mlp(user, item, dense_inputs, sp, su, si, sd, ss, gb, w1p,
                b_f1.reshape(1, F1), a1.reshape(1, F1), W_f2,
                b_f2.reshape(1, F2), a2.reshape(1, F2), W_final,
                b_final.reshape(1, 1))

# --- scband reference (transcript-rebuilt; emitter-appended) ---
"""Pipeline reference for scband-din-42777874268334 (READ-ONLY COPY).

The authoritative reference and input builder live on the scoring server;
editing this copy changes nothing except your own understanding.
"""

import jax, jax.numpy as jnp
import numpy as np

B = 4096; L = 200; BEH = 2; D = 16; VB = 1000000; VS = 100000; NS = 26; ND = 13
DSEQ = BEH * D
ATT1 = 80; ATT2 = 40
F1 = 256; F2 = 128
DIN_IN = DSEQ + DSEQ + ND + NS * D


def setup_inputs(seed: int = 0):
    key = jax.random.key(seed)
    ks = jax.random.split(key, 16)
    inp = {}
    inp['dense_inputs'] = jax.random.uniform(ks[0], (B, ND), dtype=jnp.float32)
    inp['sparse_inputs'] = jax.random.randint(ks[1], (B, NS), 0, VS)
    inp['seq_inputs'] = jax.random.randint(ks[2], (B, L, BEH), 0, VB)
    inp['item_inputs'] = jax.random.randint(ks[3], (B, BEH), 1, VB)
    inp['W_beh'] = jax.random.normal(ks[4], (BEH, VB, D), dtype=jnp.float32) * 0.01
    inp['W_sparse'] = jax.random.normal(ks[5], (NS, VS, D), dtype=jnp.float32) * 0.01
    inp['W_att1'] = jax.random.normal(ks[6], (4 * DSEQ, ATT1), dtype=jnp.float32) * 0.05
    inp['b_att1'] = jnp.zeros((ATT1,), dtype=jnp.float32)
    inp['W_att2'] = jax.random.normal(ks[7], (ATT1, ATT2), dtype=jnp.float32) * 0.05
    inp['b_att2'] = jnp.zeros((ATT2,), dtype=jnp.float32)
    inp['W_att3'] = jax.random.normal(ks[8], (ATT2, 1), dtype=jnp.float32) * 0.05
    inp['b_att3'] = jnp.zeros((1,), dtype=jnp.float32)
    inp['gamma'] = jnp.ones((DIN_IN,), dtype=jnp.float32)
    inp['beta'] = jnp.zeros((DIN_IN,), dtype=jnp.float32)
    inp['W_f1'] = jax.random.normal(ks[9], (DIN_IN, F1), dtype=jnp.float32) * 0.05
    inp['b_f1'] = jnp.zeros((F1,), dtype=jnp.float32)
    inp['a1'] = jnp.full((F1,), 0.25, dtype=jnp.float32)
    inp['W_f2'] = jax.random.normal(ks[10], (F1, F2), dtype=jnp.float32) * 0.05
    inp['b_f2'] = jnp.zeros((F2,), dtype=jnp.float32)
    inp['a2'] = jnp.full((F2,), 0.25, dtype=jnp.float32)
    inp['W_final'] = jax.random.normal(ks[11], (F2, 1), dtype=jnp.float32) * 0.05
    inp['b_final'] = jnp.zeros((1,), dtype=jnp.float32)
    return inp


def _prelu(x, a):
    return jnp.maximum(x, 0.0) + a * jnp.minimum(x, 0.0)


def reference(dense_inputs, sparse_inputs, seq_inputs, item_inputs, W_beh, W_sparse,
              W_att1, b_att1, W_att2, b_att2, W_att3, b_att3, gamma, beta,
              W_f1, b_f1, a1, W_f2, b_f2, a2, W_final, b_final):
    # mask over history positions (0 = padding)
    mask = (seq_inputs[:, :, 0] != 0).astype(jnp.float32)  # [B, L]
    # other (non-behavior) sparse embeddings: per-field tables, gather rows
    sp_emb = W_sparse[jnp.arange(NS)[None, :], sparse_inputs]  # [B, NS, D]
    other_info = jnp.concatenate([dense_inputs, sp_emb.reshape(B, NS * D)], axis=-1)
    # behavior sequence + candidate item embeddings (concat over behavior feats)
    seq_embed = W_beh[jnp.arange(BEH)[None, None, :], seq_inputs].reshape(B, L, DSEQ)
    item_embed = W_beh[jnp.arange(BEH)[None, :], item_inputs].reshape(B, DSEQ)
    # DIN local activation unit (attention)
    q = jnp.broadcast_to(item_embed[:, None, :], (B, L, DSEQ))
    att_in = jnp.concatenate([q, seq_embed, q - seq_embed, q * seq_embed], axis=-1)
    h = jax.nn.relu(att_in @ W_att1 + b_att1)
    h = jax.nn.relu(h @ W_att2 + b_att2)
    scores = (h @ W_att3 + b_att3)[:, :, 0]  # [B, L]
    scores = jnp.where(mask > 0.0, scores, -4294967295.0)
    w = jax.nn.softmax(scores, axis=-1)
    user_info = jnp.sum(w[:, :, None] * seq_embed, axis=1)  # [B, DSEQ]
    # concat all, batch-norm (training mode: batch statistics), FFN with PReLU
    info_all = jnp.concatenate([user_info, item_embed, other_info], axis=-1)
    mu = jnp.mean(info_all, axis=0, keepdims=True)
    var = jnp.var(info_all, axis=0, keepdims=True)
    info_all = gamma * (info_all - mu) / jnp.sqrt(var + 1e-3) + beta
    h = _prelu(info_all @ W_f1 + b_f1, a1)
    h = _prelu(h @ W_f2 + b_f2, a2)
    out = jax.nn.sigmoid(h @ W_final + b_final)
    return out

if __name__ == "__main__":
    import jax
    _d = setup_inputs()
    print(jax.jit(kernel)(*tuple(_d.values())))

</pallas_src>

<mosaic_0001>
#map = affine_map<(d0, d1) -> (0, 0)>
#map1 = affine_map<(d0, d1) -> (0)>
module attributes {stable_mosaic.version = 14 : i64} {
  func.func @_sc_gather_body(%arg0: i32, %arg1: i32, %arg2: memref<2000000x16xf32, #tpu.memory_space<hbm>>, %arg3: memref<2600000x16xf32, #tpu.memory_space<hbm>>, %arg4: memref<1638400xi32, #tpu.memory_space<hbm>>, %arg5: memref<1638400xi32, #tpu.memory_space<hbm>>, %arg6: memref<106496xi32, #tpu.memory_space<hbm>>, %arg7: memref<106496xi32, #tpu.memory_space<hbm>>, %arg8: memref<8192xi32, #tpu.memory_space<hbm>>, %arg9: memref<8192xi32, #tpu.memory_space<hbm>>, %arg10: memref<1638400x16xf32, #tpu.memory_space<hbm>>, %arg11: memref<106496x16xf32, #tpu.memory_space<hbm>>, %arg12: memref<8192x16xf32, #tpu.memory_space<hbm>>, %arg13: memref<2048xi32, #tpu.memory_space<vmem>>, %arg14: memref<2048xi32, #tpu.memory_space<vmem>>, %arg15: memref<2048x16xf32, #tpu.memory_space<vmem>>, %arg16: memref<3328xi32, #tpu.memory_space<vmem>>, %arg17: memref<3328xi32, #tpu.memory_space<vmem>>, %arg18: memref<3328x16xf32, #tpu.memory_space<vmem>>, %arg19: memref<256xi32, #tpu.memory_space<vmem>>, %arg20: memref<256xi32, #tpu.memory_space<vmem>>, %arg21: memref<256x16xf32, #tpu.memory_space<vmem>>, %arg22: memref<!tpu.dma_semaphore, #tpu.memory_space<semaphore_mem>>) attributes {dimension_semantics = [#tpu.dimension_semantics<core_parallel>, #tpu.dimension_semantics<subcore_parallel>], iteration_bounds = array<i64: 2, 16>, scalar_prefetch = 0 : i64, scratch_operands = 10 : i64, tpu.core_type = #tpu.core_type<sc_vector_subcore>, window_params = [{transform_indices = #map}, {transform_indices = #map}, {transform_indices = #map1}, {transform_indices = #map1}, {transform_indices = #map1}, {transform_indices = #map1}, {transform_indices = #map1}, {transform_indices = #map1}, {transform_indices = #map}, {transform_indices = #map}, {transform_indices = #map}]} {
    %mul3A = arith.constant 2 : i32
    %mul3A_0 = arith.muli %arg1, %mul3A : i32
    %add3A = arith.addi %mul3A_0, %arg0 : i32
    %mul3A_1 = arith.constant 256 : i32
    %mul3A_2 = arith.muli %add3A, %mul3A_1 : i32
    "tpu.region"() ({
      %run_scoped3A = tpu.sem_alloc : memref<!tpu.dma_semaphore, #tpu.memory_space<semaphore_mem>>
      %dma_start3A_34 = tpu.memref_slice %arg8[%mul3A_2] : memref<8192xi32, #tpu.memory_space<hbm>> -> memref<256xi32, #tpu.memory_space<hbm>>
      %dma_start3A_35 = tpu.memref_slice %arg8[%mul3A_2] : memref<8192xi32, #tpu.memory_space<hbm>> -> memref<256xi32, #tpu.memory_space<hbm>>
      tpu.enqueue_dma source(%dma_start3A_35 : memref<256xi32, #tpu.memory_space<hbm>>) target(%arg19 : memref<256xi32, #tpu.memory_space<vmem>>) target_semaphore(%run_scoped3A : memref<!tpu.dma_semaphore, #tpu.memory_space<semaphore_mem>>)
      %dma_wait3A_36 = tpu.memref_slice %arg8[%mul3A_2] : memref<8192xi32, #tpu.memory_space<hbm>> -> memref<256xi32, #tpu.memory_space<hbm>>
      %dma_wait3A_37 = tpu.memref_slice %arg8[%mul3A_2] : memref<8192xi32, #tpu.memory_space<hbm>> -> memref<256xi32, #tpu.memory_space<hbm>>
      tpu.wait_dma2 semaphore(%run_scoped3A : memref<!tpu.dma_semaphore, #tpu.memory_space<semaphore_mem>>) src(%dma_wait3A_37 : memref<256xi32, #tpu.memory_space<hbm>>) dst(%arg19 : memref<256xi32, #tpu.memory_space<vmem>>)
      tpu.yield
    }) : () -> ()
    "tpu.region"() ({
      %run_scoped3A = tpu.sem_alloc : memref<!tpu.dma_semaphore, #tpu.memory_space<semaphore_mem>>
      %dma_start3A_34 = tpu.memref_slice %arg9[%mul3A_2] : memref<8192xi32, #tpu.memory_space<hbm>> -> memref<256xi32, #tpu.memory_space<hbm>>
      %dma_start3A_35 = tpu.memref_slice %arg9[%mul3A_2] : memref<8192xi32, #tpu.memory_space<hbm>> -> memref<256xi32, #tpu.memory_space<hbm>>
      tpu.enqueue_dma source(%dma_start3A_35 : memref<256xi32, #tpu.memory_space<hbm>>) target(%arg20 : memref<256xi32, #tpu.memory_space<vmem>>) target_semaphore(%run_scoped3A : memref<!tpu.dma_semaphore, #tpu.memory_space<semaphore_mem>>)
      %dma_wait3A_36 = tpu.memref_slice %arg9[%mul3A_2] : memref<8192xi32, #tpu.memory_space<hbm>> -> memref<256xi32, #tpu.memory_space<hbm>>
      %dma_wait3A_37 = tpu.memref_slice %arg9[%mul3A_2] : memref<8192xi32, #tpu.memory_space<hbm>> -> memref<256xi32, #tpu.memory_space<hbm>>
      tpu.wait_dma2 semaphore(%run_scoped3A : memref<!tpu.dma_semaphore, #tpu.memory_space<semaphore_mem>>) src(%dma_wait3A_37 : memref<256xi32, #tpu.memory_space<hbm>>) dst(%arg20 : memref<256xi32, #tpu.memory_space<vmem>>)
      tpu.yield
    }) : () -> ()
    %dma_start3A = arith.constant 0 : i32
    %dma_start3A_3 = arith.constant 0 : i32
    %dma_start3A_4 = tpu.memref_slice %arg2[%dma_start3A, %dma_start3A_3] : memref<2000000x16xf32, #tpu.memory_space<hbm>> -> memref<2000000x16xf32, #tpu.memory_space<hbm>>
    tpu.enqueue_indirect_dma source(%dma_start3A_4 : memref<2000000x16xf32, #tpu.memory_space<hbm>>) target(%arg21 : memref<256x16xf32, #tpu.memory_space<vmem>>) offsets(%arg19 : memref<256xi32, #tpu.memory_space<vmem>>) semaphore(%arg22 : memref<!tpu.dma_semaphore, #tpu.memory_space<semaphore_mem>>)
    %dma_wait3A = arith.constant 0 : i32
    %dma_wait3A_5 = arith.constant 0 : i32
    %dma_wait3A_6 = tpu.memref_slice %arg2[%dma_wait3A, %dma_wait3A_5] : memref<2000000x16xf32, #tpu.memory_space<hbm>> -> memref<2000000x16xf32, #tpu.memory_space<hbm>>
    tpu.wait_indirect_dma semaphore(%arg22 : memref<!tpu.dma_semaphore, #tpu.memory_space<semaphore_mem>>) src(%dma_wait3A_6 : memref<2000000x16xf32, #tpu.memory_space<hbm>>) dst(%arg21 : memref<256x16xf32, #tpu.memory_space<vmem>>)
    %dma_start3A_7 = arith.constant 0 : i32
    %dma_start3A_8 = arith.constant 0 : i32
    %dma_start3A_9 = tpu.memref_slice %arg12[%dma_start3A_7, %dma_start3A_8] : memref<8192x16xf32, #tpu.memory_space<hbm>> -> memref<8192x16xf32, #tpu.memory_space<hbm>>
    tpu.enqueue_indirect_dma source(%arg21 : memref<256x16xf32, #tpu.memory_space<vmem>>) target(%dma_start3A_9 : memref<8192x16xf32, #tpu.memory_space<hbm>>) offsets(%arg20 : memref<256xi32, #tpu.memory_space<vmem>>) semaphore(%arg22 : memref<!tpu.dma_semaphore, #tpu.memory_space<semaphore_mem>>)
    %dma_wait3A_10 = arith.constant 0 : i32
    %dma_wait3A_11 = arith.constant 0 : i32
    %dma_wait3A_12 = tpu.memref_slice %arg12[%dma_wait3A_10, %dma_wait3A_11] : memref<8192x16xf32, #tpu.memory_space<hbm>> -> memref<8192x16xf32, #tpu.memory_space<hbm>>
    tpu.wait_indirect_dma semaphore(%arg22 : memref<!tpu.dma_semaphore, #tpu.memory_space<semaphore_mem>>) src(%arg21 : memref<256x16xf32, #tpu.memory_space<vmem>>) dst(%dma_wait3A_12 : memref<8192x16xf32, #tpu.memory_space<hbm>>)
    %mul3A_13 = arith.constant 3328 : i32
    %mul3A_14 = arith.muli %add3A, %mul3A_13 : i32
    "tpu.region"() ({
      %run_scoped3A = tpu.sem_alloc : memref<!tpu.dma_semaphore, #tpu.memory_space<semaphore_mem>>
      %dma_start3A_34 = tpu.memref_slice %arg6[%mul3A_14] : memref<106496xi32, #tpu.memory_space<hbm>> -> memref<3328xi32, #tpu.memory_space<hbm>>
      %dma_start3A_35 = tpu.memref_slice %arg6[%mul3A_14] : memref<106496xi32, #tpu.memory_space<hbm>> -> memref<3328xi32, #tpu.memory_space<hbm>>
      tpu.enqueue_dma source(%dma_start3A_35 : memref<3328xi32, #tpu.memory_space<hbm>>) target(%arg16 : memref<3328xi32, #tpu.memory_space<vmem>>) target_semaphore(%run_scoped3A : memref<!tpu.dma_semaphore, #tpu.memory_space<semaphore_mem>>)
      %dma_wait3A_36 = tpu.memref_slice %arg6[%mul3A_14] : memref<106496xi32, #tpu.memory_space<hbm>> -> memref<3328xi32, #tpu.memory_space<hbm>>
      %dma_wait3A_37 = tpu.memref_slice %arg6[%mul3A_14] : memref<106496xi32, #tpu.memory_space<hbm>> -> memref<3328xi32, #tpu.memory_space<hbm>>
      tpu.wait_dma2 semaphore(%run_scoped3A : memref<!tpu.dma_semaphore, #tpu.memory_space<semaphore_mem>>) src(%dma_wait3A_37 : memref<3328xi32, #tpu.memory_space<hbm>>) dst(%arg16 : memref<3328xi32, #tpu.memory_space<vmem>>)
      tpu.yield
    }) : () -> ()
    "tpu.region"() ({
      %run_scoped3A = tpu.sem_alloc : memref<!tpu.dma_semaphore, #tpu.memory_space<semaphore_mem>>
      %dma_start3A_34 = tpu.memref_slice %arg7[%mul3A_14] : memref<106496xi32, #tpu.memory_space<hbm>> -> memref<3328xi32, #tpu.memory_space<hbm>>
      %dma_start3A_35 = tpu.memref_slice %arg7[%mul3A_14] : memref<106496xi32, #tpu.memory_space<hbm>> -> memref<3328xi32, #tpu.memory_space<hbm>>
      tpu.enqueue_dma source(%dma_start3A_35 : memref<3328xi32, #tpu.memory_space<hbm>>) target(%arg17 : memref<3328xi32, #tpu.memory_space<vmem>>) target_semaphore(%run_scoped3A : memref<!tpu.dma_semaphore, #tpu.memory_space<semaphore_mem>>)
      %dma_wait3A_36 = tpu.memref_slice %arg7[%mul3A_14] : memref<106496xi32, #tpu.memory_space<hbm>> -> memref<3328xi32, #tpu.memory_space<hbm>>
      %dma_wait3A_37 = tpu.memref_slice %arg7[%mul3A_14] : memref<106496xi32, #tpu.memory_space<hbm>> -> memref<3328xi32, #tpu.memory_space<hbm>>
      tpu.wait_dma2 semaphore(%run_scoped3A : memref<!tpu.dma_semaphore, #tpu.memory_space<semaphore_mem>>) src(%dma_wait3A_37 : memref<3328xi32, #tpu.memory_space<hbm>>) dst(%arg17 : memref<3328xi32, #tpu.memory_space<vmem>>)
      tpu.yield
    }) : () -> ()
    %dma_start3A_15 = arith.constant 0 : i32
    %dma_start3A_16 = arith.constant 0 : i32
    %dma_start3A_17 = tpu.memref_slice %arg3[%dma_start3A_15, %dma_start3A_16] : memref<2600000x16xf32, #tpu.memory_space<hbm>> -> memref<2600000x16xf32, #tpu.memory_space<hbm>>
    tpu.enqueue_indirect_dma source(%dma_start3A_17 : memref<2600000x16xf32, #tpu.memory_space<hbm>>) target(%arg18 : memref<3328x16xf32, #tpu.memory_space<vmem>>) offsets(%arg16 : memref<3328xi32, #tpu.memory_space<vmem>>) semaphore(%arg22 : memref<!tpu.dma_semaphore, #tpu.memory_space<semaphore_mem>>)
    %dma_wait3A_18 = arith.constant 0 : i32
    %dma_wait3A_19 = arith.constant 0 : i32
    %dma_wait3A_20 = tpu.memref_slice %arg3[%dma_wait3A_18, %dma_wait3A_19] : memref<2600000x16xf32, #tpu.memory_space<hbm>> -> memref<2600000x16xf32, #tpu.memory_space<hbm>>
    tpu.wait_indirect_dma semaphore(%arg22 : memref<!tpu.dma_semaphore, #tpu.memory_space<semaphore_mem>>) src(%dma_wait3A_20 : memref<2600000x16xf32, #tpu.memory_space<hbm>>) dst(%arg18 : memref<3328x16xf32, #tpu.memory_space<vmem>>)
    %dma_start3A_21 = arith.constant 0 : i32
    %dma_start3A_22 = arith.constant 0 : i32
    %dma_start3A_23 = tpu.memref_slice %arg11[%dma_start3A_21, %dma_start3A_22] : memref<106496x16xf32, #tpu.memory_space<hbm>> -> memref<106496x16xf32, #tpu.memory_space<hbm>>
    tpu.enqueue_indirect_dma source(%arg18 : memref<3328x16xf32, #tpu.memory_space<vmem>>) target(%dma_start3A_23 : memref<106496x16xf32, #tpu.memory_space<hbm>>) offsets(%arg17 : memref<3328xi32, #tpu.memory_space<vmem>>) semaphore(%arg22 : memref<!tpu.dma_semaphore, #tpu.memory_space<semaphore_mem>>)
    %dma_wait3A_24 = arith.constant 0 : i32
    %dma_wait3A_25 = arith.constant 0 : i32
    %dma_wait3A_26 = tpu.memref_slice %arg11[%dma_wait3A_24, %dma_wait3A_25] : memref<106496x16xf32, #tpu.memory_space<hbm>> -> memref<106496x16xf32, #tpu.memory_space<hbm>>
    tpu.wait_indirect_dma semaphore(%arg22 : memref<!tpu.dma_semaphore, #tpu.memory_space<semaphore_mem>>) src(%arg18 : memref<3328x16xf32, #tpu.memory_space<vmem>>) dst(%dma_wait3A_26 : memref<106496x16xf32, #tpu.memory_space<hbm>>)
    %mul3A_27 = arith.constant 51200 : i32
    %mul3A_28 = arith.muli %add3A, %mul3A_27 : i32
    %scan3A = arith.constant 0 : i32
    %scan3A_29 = arith.constant 0 : i32
    %scan3A_30 = arith.constant 25 : i32
    %scan3A_31 = arith.addi %scan3A_29, %scan3A_30 : i32
    %scan3A_32 = arith.constant 1 : i32
    scf.for %scan3A_34 = %scan3A_29 to %scan3A_31 step %scan3A_32  : i32 {
      %mul3A_35 = arith.constant 2048 : i32
      %mul3A_36 = arith.muli %scan3A_34, %mul3A_35 : i32
      %add3A_37 = arith.addi %mul3A_28, %mul3A_36 : i32
      "tpu.region"() ({
        %run_scoped3A = tpu.sem_alloc : memref<!tpu.dma_semaphore, #tpu.memory_space<semaphore_mem>>
        %dma_start3A_50 = tpu.memref_slice %arg4[%add3A_37] : memref<1638400xi32, #tpu.memory_space<hbm>> -> memref<2048xi32, #tpu.memory_space<hbm>>
        %dma_start3A_51 = tpu.memref_slice %arg4[%add3A_37] : memref<1638400xi32, #tpu.memory_space<hbm>> -> memref<2048xi32, #tpu.memory_space<hbm>>
        tpu.enqueue_dma source(%dma_start3A_51 : memref<2048xi32, #tpu.memory_space<hbm>>) target(%arg13 : memref<2048xi32, #tpu.memory_space<vmem>>) target_semaphore(%run_scoped3A : memref<!tpu.dma_semaphore, #tpu.memory_space<semaphore_mem>>)
        %dma_wait3A_52 = tpu.memref_slice %arg4[%add3A_37] : memref<1638400xi32, #tpu.memory_space<hbm>> -> memref<2048xi32, #tpu.memory_space<hbm>>
        %dma_wait3A_53 = tpu.memref_slice %arg4[%add3A_37] : memref<1638400xi32, #tpu.memory_space<hbm>> -> memref<2048xi32, #tpu.memory_space<hbm>>
        tpu.wait_dma2 semaphore(%run_scoped3A : memref<!tpu.dma_semaphore, #tpu.memory_space<semaphore_mem>>) src(%dma_wait3A_53 : memref<2048xi32, #tpu.memory_space<hbm>>) dst(%arg13 : memref<2048xi32, #tpu.memory_space<vmem>>)
        tpu.yield
      }) : () -> ()
      "tpu.region"() ({
        %run_scoped3A = tpu.sem_alloc : memref<!tpu.dma_semaphore, #tpu.memory_space<semaphore_mem>>
        %dma_start3A_50 = tpu.memref_slice %arg5[%add3A_37] : memref<1638400xi32, #tpu.memory_space<hbm>> -> memref<2048xi32, #tpu.memory_space<hbm>>
        %dma_start3A_51 = tpu.memref_slice %arg5[%add3A_37] : memref<1638400xi32, #tpu.memory_space<hbm>> -> memref<2048xi32, #tpu.memory_space<hbm>>
        tpu.enqueue_dma source(%dma_start3A_51 : memref<2048xi32, #tpu.memory_space<hbm>>) target(%arg14 : memref<2048xi32, #tpu.memory_space<vmem>>) target_semaphore(%run_scoped3A : memref<!tpu.dma_semaphore, #tpu.memory_space<semaphore_mem>>)
        %dma_wait3A_52 = tpu.memref_slice %arg5[%add3A_37] : memref<1638400xi32, #tpu.memory_space<hbm>> -> memref<2048xi32, #tpu.memory_space<hbm>>
        %dma_wait3A_53 = tpu.memref_slice %arg5[%add3A_37] : memref<1638400xi32, #tpu.memory_space<hbm>> -> memref<2048xi32, #tpu.memory_space<hbm>>
        tpu.wait_dma2 semaphore(%run_scoped3A : memref<!tpu.dma_semaphore, #tpu.memory_space<semaphore_mem>>) src(%dma_wait3A_53 : memref<2048xi32, #tpu.memory_space<hbm>>) dst(%arg14 : memref<2048xi32, #tpu.memory_space<vmem>>)
        tpu.yield
      }) : () -> ()
      %dma_start3A_38 = arith.constant 0 : i32
      %dma_start3A_39 = arith.constant 0 : i32
      %dma_start3A_40 = tpu.memref_slice %arg2[%dma_start3A_38, %dma_start3A_39] : memref<2000000x16xf32, #tpu.memory_space<hbm>> -> memref<2000000x16xf32, #tpu.memory_space<hbm>>
      tpu.enqueue_indirect_dma source(%dma_start3A_40 : memref<2000000x16xf32, #tpu.memory_space<hbm>>) target(%arg15 : memref<2048x16xf32, #tpu.memory_space<vmem>>) offsets(%arg13 : memref<2048xi32, #tpu.memory_space<vmem>>) semaphore(%arg22 : memref<!tpu.dma_semaphore, #tpu.memory_space<semaphore_mem>>)
      %dma_wait3A_41 = arith.constant 0 : i32
      %dma_wait3A_42 = arith.constant 0 : i32
      %dma_wait3A_43 = tpu.memref_slice %arg2[%dma_wait3A_41, %dma_wait3A_42] : memref<2000000x16xf32, #tpu.memory_space<hbm>> -> memref<2000000x16xf32, #tpu.memory_space<hbm>>
      tpu.wait_indirect_dma semaphore(%arg22 : memref<!tpu.dma_semaphore, #tpu.memory_space<semaphore_mem>>) src(%dma_wait3A_43 : memref<2000000x16xf32, #tpu.memory_space<hbm>>) dst(%arg15 : memref<2048x16xf32, #tpu.memory_space<vmem>>)
      %dma_start3A_44 = arith.constant 0 : i32
      %dma_start3A_45 = arith.constant 0 : i32
      %dma_start3A_46 = tpu.memref_slice %arg10[%dma_start3A_44, %dma_start3A_45] : memref<1638400x16xf32, #tpu.memory_space<hbm>> -> memref<1638400x16xf32, #tpu.memory_space<hbm>>
      tpu.enqueue_indirect_dma source(%arg15 : memref<2048x16xf32, #tpu.memory_space<vmem>>) target(%dma_start3A_46 : memref<1638400x16xf32, #tpu.memory_space<hbm>>) offsets(%arg14 : memref<2048xi32, #tpu.memory_space<vmem>>) semaphore(%arg22 : memref<!tpu.dma_semaphore, #tpu.memory_space<semaphore_mem>>)
      %dma_wait3A_47 = arith.constant 0 : i32
      %dma_wait3A_48 = arith.constant 0 : i32
      %dma_wait3A_49 = tpu.memref_slice %arg10[%dma_wait3A_47, %dma_wait3A_48] : memref<1638400x16xf32, #tpu.memory_space<hbm>> -> memref<1638400x16xf32, #tpu.memory_space<hbm>>
      tpu.wait_indirect_dma semaphore(%arg22 : memref<!tpu.dma_semaphore, #tpu.memory_space<semaphore_mem>>) src(%arg15 : memref<2048x16xf32, #tpu.memory_space<vmem>>) dst(%dma_wait3A_49 : memref<1638400x16xf32, #tpu.memory_space<hbm>>)
    }
    %scan3A_33 = arith.constant 25 : i32
    return
  }
}

</mosaic_0001>

<sc_bundles>
// kernel: _sc_gather.3.cloned.1.call-start
scs
__scs_entry_jumppad:
0x0: {  	(pc) =	sbr.rel $0x88, $3  }
0x1: {  	(tag) =	ssettag $0x0;
	lr =	simm.s32 $0x1  }
0x2: {  	[smem:$0x3F99] =	sst lr;
	_ =	strace $0xD0000000  }
0x3: {  	_ = 	snop  }
0x4: {  	_ = 	snop  }
0x5: {  	_ = 	snop  }
0x6: {  	_ = 	snop  }
0x7: {  	_ = 	snop  }
__scs_overlays_trampoline_lowered:
0x8: {  	[smem:$0x3FA8] =	sst s0  }
0x9: {  	[smem:$0x3FA9] =	sst s1  }
0xa: {  	[smem:$0x3FAA] =	sst s2  }
0xb: {  	[smem:$0x3FAB] =	sst s3  }
0xc: {  	[smem:$0x3FAC] =	sst s4  }
0xd: {  	[smem:$0x3FAD] =	sst s5  }
0xe: {  	[smem:$0x3FAE] =	sst s6  }
0xf: {  	[smem:$0x3FAF] =	sst s7  }
0x10: {  	[smem:$0x3FB0] =	sst s8  }
0x11: {  	[smem:$0x3FB1] =	sst s9;
	s0 =	simm.s32 @!p0 $0x0  }
0x12: {  	s1 =	sld [smem:$0x3F97];
	s0 =	simm.s32 @p0 $0x1  }
0x13: {  	[smem:$0x3FB2] =	sst s0;
	s0 =	simm.s32 @!p1 $0x0  }
0x14: {  	s2 =	sld [smem:$0x3F96];
	s0 =	simm.s32 @p1 $0x1  }
0x15: {  	[smem:$0x3FB3] =	sst s0;
	s0 =	simm.s32 @!p2 $0x0  }
0x16: {  	s3 =	sld [smem:$0x3FDB];
	s0 =	simm.s32 @p2 $0x1  }
0x17: {  	s4 =	simm.s32 $0x1BF5;
	[smem:$0x3FB5] =	sst s0  }
0x18: {  	s0 =	sld [smem:$0x3F98];
	_ =	swait.ge [sflag:s4], $0x0  }
0x19: {  	s7 =	sld [smem:$0x3F99]  }
0x1a: {  	s8 =	sadd.s32 $0xFFFFE003, lr  }
0x1b: {  	s9 =	sadd.s32 $0xFFFFFEF7, lr;
	s5 =	simm.s32 $0xFFFFFFFF;
	p2 =	slt.u32 s8, $0xFFFFF086  }
0x1c: {  	p1 =	slt.u32 s9, $0xF7A;
	s5 =	simm.s32 @!p2 $0x0  }
0x1d: {  	s5 =	simm.s32 @p1 $0x1;
	p0 =	seq.s32 s7, s2  }
0x1e: {  	s7 =	smul.u32 @!p0 $0xF7A, s2;
	p2 =	seq.s32 @!p0 s5, $0x0  }
0x1f: {  	s9 =	smul.u32 $0xF7A, s1;
	s8 =	simm.s32 @!p0 $0x1BF5;
	p2 =	por !p2, p0  }
0x20: {  	[sflag:s8] =	ssyncset.s32 @!p0 $0xFFFFF086;
	s6 =	sadd.s32 @!p0 s3, s7;
	s7 =	simm.s32 @!p0 $0x108  }
0x21: {  	s3 =	sadd.s32 s3, s9;
	s6 =	sadd.s32 @!p0 $0x88, s6;
	s7 =	simm.s32 @p2 $0x1082  }
0x22: {  	[simem:s7], [sflag:s8] =	dma.local @!p0 [hbm:s6], $0xF7A  }
0x23: {  	s9 =	sor.u32 $0xD0000000, s2;
	s6 =	simm.s32 $0x108;
	_ =	swait.ge @!p0 [sflag:s8], $0x0  }
0x24: {  	s3 =	sadd.s32 $0x88, s3;
	s6 =	simm.s32 @!p1 $0x1082;
	[sflag:s4] =	ssyncset.s32 $0xFFFFF086  }
0x25: {  	[simem:s6], [sflag:s4] =	dma.local [hbm:s3], $0xF7A  }
0x26: {  	[smem:$0x3F99] =	sst s1;
	(tag) =	ssettag s2;
	_ =	strace s9  }
0x27: {  	s1 =	sld [smem:$0x3FA9]  }
0x28: {  	s2 =	sld [smem:$0x3FAA]  }
0x29: {  	s4 =	sld [smem:$0x3FAC]  }
0x2a: {  	p0 =	seq.s32 s5, $0x0;
	s5 =	sld [smem:$0x3FAD]  }
0x2b: {  	s6 =	sld [smem:$0x3FAE]  }
0x2c: {  	s7 =	sld [smem:$0x3FAF]  }
0x2d: {  	s3 =	simm.s32 $0x108;
	s8 =	sld [smem:$0x3FB0]  }
0x2e: {  	s3 =	simm.s32 @!p0 $0x1082;
	s9 =	sld [smem:$0x3FB1]  }
0x2f: {  	lr =	sadd.s32 s0, s3;
	s0 =	sld [smem:$0x3FA8]  }
0x30: {  	s3 =	sld [smem:$0x3FAB]  }
0x31: {  	[smem:$0x3FB4] =	sst s10  }
0x32: {  	s10 =	sld [smem:$0x3FB2];
	_ =	sdelay $0x3  }
0x33: {  	p0 =	seq.s32 s10, $0x1;
	s10 =	sld [smem:$0x3FB4];
	_ =	sdelay $0x3  }
0x34: {  	[smem:$0x3FB4] =	sst s10  }
0x35: {  	s10 =	sld [smem:$0x3FB3];
	_ =	sdelay $0x3  }
0x36: {  	p1 =	seq.s32 s10, $0x1;
	s10 =	sld [smem:$0x3FB4];
	_ =	sdelay $0x3  }
0x37: {  	[smem:$0x3FB4] =	sst s10  }
0x38: {  	s10 =	sld [smem:$0x3FB5]  }
0x39: {  	_ = 	snop;
	(pc) =	sbr.ind lr, $3  }
0x3a: {  	_ = 	snop  }
0x3b: {  	_ = 	snop  }
0x3c: {  	p2 =	seq.s32 s10, $0x1;
	s10 =	sld [smem:$0x3FB4]  }
0x3d: {  	_ =	shalt  }
0x3e: {  	_ =	shalt  }
0x3f: {  	_ =	shalt  }
0x40: {  	_ =	shalt  }
0x41: {  	_ =	shalt  }
0x42: {  	_ =	shalt  }
0x43: {  	_ =	shalt  }
0x44: {  	_ =	shalt  }
0x45: {  	_ =	shalt  }
0x46: {  	_ =	shalt  }
0x47: {  	_ =	shalt  }
0x48: {  	_ =	shalt  }
0x49: {  	_ =	shalt  }
0x4a: {  	_ =	shalt  }
0x4b: {  	_ =	shalt  }
0x4c: {  	_ =	shalt  }
0x4d: {  	_ =	shalt  }
0x4e: {  	_ =	shalt  }
0x4f: {  	_ =	shalt  }
0x50: {  	_ =	shalt  }
0x51: {  	_ =	shalt  }
0x52: {  	_ =	shalt  }
0x53: {  	_ =	shalt  }
0x54: {  	_ =	shalt  }
0x55: {  	_ =	shalt  }
0x56: {  	_ =	shalt  }
0x57: {  	_ =	shalt  }
0x58: {  	_ =	shalt  }
0x59: {  	_ =	shalt  }
0x5a: {  	_ =	shalt  }
0x5b: {  	_ =	shalt  }
0x5c: {  	_ =	shalt  }
0x5d: {  	_ =	shalt  }
0x5e: {  	_ =	shalt  }
0x5f: {  	_ =	shalt  }
0x60: {  	_ =	shalt  }
0x61: {  	_ =	shalt  }
0x62: {  	_ =	shalt  }
0x63: {  	_ =	shalt  }
0x64: {  	_ =	shalt  }
0x65: {  	_ =	shalt  }
0x66: {  	_ =	shalt  }
0x67: {  	_ =	shalt  }
0x68: {  	_ =	shalt  }
0x69: {  	_ =	shalt  }
0x6a: {  	_ =	shalt  }
0x6b: {  	_ =	shalt  }
0x6c: {  	_ =	shalt  }
0x6d: {  	_ =	shalt  }
0x6e: {  	_ =	shalt  }
0x6f: {  	_ =	shalt  }
0x70: {  	_ =	shalt  }
0x71: {  	_ =	shalt  }
0x72: {  	_ =	shalt  }
0x73: {  	_ =	shalt  }
0x74: {  	_ =	shalt  }
0x75: {  	_ =	shalt  }
0x76: {  	_ =	shalt  }
0x77: {  	_ =	shalt  }
0x78: {  	_ =	shalt  }
0x79: {  	_ =	shalt  }
0x7a: {  	_ =	shalt  }
0x7b: {  	_ =	shalt  }
0x7c: {  	_ =	shalt  }
0x7d: {  	_ =	shalt  }
0x7e: {  	_ =	shalt  }
0x7f: {  	_ =	shalt  }
0x80: {  	_ =	shalt  }
0x81: {  	_ =	shalt  }
0x82: {  	_ =	shalt  }
0x83: {  	_ =	shalt  }
0x84: {  	_ =	shalt  }
0x85: {  	_ =	shalt  }
0x86: {  	_ =	shalt  }
0x87: {  	_ =	shalt  }
.Lfunc_end0:
.L_simem_size_0:
called_computation.1_lowered:
.L_overlay_start_0:
0x88: {  	s2 =	sld [smem:$0x3FD9]  }
0x89: {  	s3 =	sld [smem:$0x3FFE];
	_ =	sdelay $0x1  }
0x8a: {  	s1 =	srdreg.scid  }
0x8b: {  	s0 =	sand.u32 $0x1, s1  }
0x8c: {  	s30 =	sshll.u32 s0, $0xA;
	s2 =	sadd.s32 s3, s2  }
0x8d: {  	s2 =	sadd.s32 s2, s30  }
0x8e: {  	[smem:$0x3FC0] =	sst s2  }
0x8f: {  	_ = 	snop  }
0x90: {  	s2 =	sld [smem:$0x3FC7]  }
0x91: {  	s31 =	sld [smem:$0x3FC6]  }
0x92: {  	s4 =	sld [smem:$0x3FC5]  }
0x93: {  	s5 =	sld [smem:$0x3FD0]  }
0x94: {  	s6 =	sld [smem:$0x3FC4]  }
0x95: {  	s7 =	sld [smem:$0x3FC3]  }
0x96: {  	s9 =	simm.s32 $0xA;
	s10 =	simm.s32 $0x10;
	s8 =	sld [smem:$0x3FC2]  }
0x97: {  	[smem:s10], [sflag:s9] =	dma.local [hbm:s5], $0x1  }
0x98: {  	_ =	swait.eq [sflag:s9], $0x1  }
0x99: {  	s16 =	sld [smem:$0x10];
	[sflag:s9] =	ssyncset.done $0x0  }
0x9a: {  	s17 =	sld [smem:$0x11];
	[sflag:s9] =	ssyncadd.s32 $0xFFFFFFFF  }
0x9b: {  	s18 =	sld [smem:$0x12];
	(tm) =	ssettm $0x1  }
0x9c: {  	s11 =	sld [smem:$0x3FFB];
	_ =	sdelay $0x3  }
0x9d: {  	_ =	strace s11  }
0x9e: {  	s11 =	sld [smem:$0x3FFC];
	_ =	sdelay $0x3  }
0x9f: {  	_ =	strace s11  }
0xa0: {  	s11 =	sld [smem:$0x3FFD];
	_ =	sdelay $0x3  }
0xa1: {  	_ =	strace s11  }
0xa2: {  	_ =	strace $0x8FFFFFFF  }
0xa3: {  	s19 =	sld [smem:$0x3FDB];
	_ =	sdelay $0x1  }
0xa4: {  	s12 =	simm.s32 $_scs_section_size  }
0xa5: {  	s13 =	simm.s32 $_size__tile_overlayer_lowered;
	s14 =	simm.s32 $_tile_overlayer_lowered  }
0xa6: {  	s22 =	simm.s32 $0x1BFF;
	s21 =	sshll.u32 s14, $0x1;
	s11 =	sadd.s32 s12, s19  }
0xa7: {  	s15 =	simm.s32 $0x0;
	s20 =	sshll.u32 s13, $0x1;
	s13 =	sadd.s32 s21, s11  }
0xa8: {  	[timem:s15], [sflag:s22] =	dma.local [hbm:s13], s20  }
0xa9: {  	_ =	swait.ge [sflag:s22], s20  }
0xaa: {  	s12 =	ssub.s32 $0x0, s20;
	[sflag:s22] =	ssyncset.done $0x0  }
0xab: {  	[sflag:s22] =	ssyncadd.s32 s12;
	_ =	sdelay $0x1  }
0xac: {  	s23 =	simm.s32 $0x1B8B  }
0xad: {  	_ =	swait.ge [sflag:s23], $0x1  }
0xae: {  	[sflag:s23] =	ssyncset.done $0x0  }
0xaf: {  	s25 =	simm.s32 $0x1B8E;
	s24 =	sld [smem:$0x3FFE];
	[sflag:s23] =	ssyncadd.s32 $0xFFFFFFFF  }
0xb0: {  	s26 =	simm.s32 $execute0_lowered;
	[smem:$0x3FD2] =	sst s25  }
0xb1: {  	s13 =	sshll.u32 s26, $0x1;
	_ =	strace $0x80000046;
	[dreg:$0x1] =	wrdreg $0xFFFFFFFF  }
0xb2: {  	s28 =	simm.s32 $_size_execute0_lowered;
	s11 =	sadd.s32 s11, s13;
	[dreg:$0x0] =	wrdreg $0x0  }
0xb3: {  	s13 =	sshll.u32 s28, $0x1;
	[dreg:$0x2] =	wrdreg s11  }
0xb4: {  	[dreg:$0x3] =	wrdreg s13  }
0xb5: {  	[dreg:$0x4] =	wrdreg $0xC0  }
0xb6: {  	_ =	task [dreg:s15], $0x5FFFF  }
0xb7: {  	[dreg:$0x1] =	wrdreg $0xFFFFFFFF  }
0xb8: {  	[dreg:$0x0] =	wrdreg $0x60  }
0xb9: {  	[dreg:$0x2] =	wrdreg s24  }
0xba: {  	[dreg:$0x3] =	wrdreg s2  }
0xbb: {  	[dreg:$0x4] =	wrdreg s31  }
0xbc: {  	[dreg:$0x5] =	wrdreg s4  }
0xbd: {  	[dreg:$0x6] =	wrdreg s6  }
0xbe: {  	[dreg:$0x7] =	wrdreg s7  }
0xbf: {  	[dreg:$0x8] =	wrdreg s8  }
0xc0: {  	[dreg:$0x9] =	wrdreg s16  }
0xc1: {  	[dreg:$0xa] =	wrdreg s17  }
0xc2: {  	[dreg:$0xb] =	wrdreg s18  }
0xc3: {  	[dreg:$0xc] =	wrdreg $0x9  }
0xc4: {  	_ =	task.clear_ibuf [dreg:s15], $0xDFFFF;
	_ =	strace $0x90000046  }
0xc5: {  	s29 =	simm.s32 $0x9;
	_ =	strace $0x80000048  }
0xc6: {  	_ =	swait.ge [sflag:s29], $0x1  }
0xc7: {  	[sflag:s29] =	ssyncadd.s32 $0xFFFFFFFF  }
0xc8: {  	_ =	strace $0x90000048  }
0xc9: {  	_ =	sfence  }
0xca: {  	s30 =	sld [smem:$0x0];
	_ =	sdelay $0x2  }
0xcb: {  	s31 =	sshll.u32 s1, $0xD;
	s1 =	sshrl.u32 s1, $0x2  }
0xcc: {  	s3 =	sand.u32 $0x4000, s31;
	s1 =	sadd.s32 s1, s30  }
0xcd: {  	s0 =	sor.u32 s3, s0;
	s1 =	sshll.u32 s1, $0x11  }
0xce: {  	s0 =	sor.u32 s1, s0  }
0xcf: {  	s0 =	sadd.s32 $0x8F2B, s0  }
0xd0: {  	[sflag:s0] =	ssyncadd.remote.s32 $0x1  }
0xd1: {  	_ =	sfence.sel $0xFFFF  }
0xd2: {  	[dreg:$0x0] =	wrdreg $0xFFFFFFFF;
	(pc) =	sbr.abs _section_cstart, $3  }
0xd3: {  	[dreg:$0x1] =	wrdreg $0xFFFFFFFF  }
0xd4: {  	_ =	task.clear_ibuf [dreg:s15], $0x2FFFF;
	_ =	strace $0x9FFFFFFF  }
0xd5: {  	(tm) =	ssettm $0x7FFFFFFF  }
tec
execute0_lowered:
.L_overlay_start_1:
0x0: {  	(tag) =	ssettag $0x1  }
0x1: {  	s7 =	rddreg [dreg:$0x0]  }
0x2: {  	s14 =	rddreg [dreg:$0x1]  }
0x3: {  	s13 =	rddreg [dreg:$0x2]  }
0x4: {  	s10 =	rddreg [dreg:$0x3]  }
0x5: {  	s11 =	rddreg [dreg:$0x4]  }
0x6: {  	s8 =	rddreg [dreg:$0x5]  }
0x7: {  	s9 =	rddreg [dreg:$0x6]  }
0x8: {  	s1 =	rddreg [dreg:$0x7]  }
0x9: {  	s3 =	rddreg [dreg:$0x8]  }
0xa: {  	s4 =	rddreg [dreg:$0x9]  }
0xb: {  	s6 =	srdreg.scid;
	s0 =	stileid.u32;
	s5 =	simm.s32 $0x0  }
0xc: {  	s20 =	simm.s32 $0x1;
	s21 =	simm.s32 $0x9000;
	s22 =	simm.s32 $0x9D00  }
0xd: {  	s23 =	simm.s32 $0xD00;
	s24 =	simm.s32 $0xAA00;
	s25 =	simm.s32 $0x800  }
0xe: {  	s26 =	simm.s32 $0x1000;
	s28 =	simm.s32 $0x0;
	s12 =	sand.u32 $0x1, s6  }
0xf: {  	s30 =	sshll.u32 s0, $0x1;
	[smem:$0x7FF] =	sst s5;
	s6 =	sadd.s32 $0x1E85800, s7  }
0x10: {  	s18 =	smul.u32 $0x19000, s0;
	s7 =	sadd.s32 $0x27AD400, s7;
	s15 =	sor.u32 s12, s30  }
0x11: {  	_ =	strace $0x80000047;
	s17 =	ssub.s32 $0x2, s12;
	s12 =	smul.u32 $0xC800, s12  }
0x12: {  	s16 =	smul.u32 $0x1A0, s15;
	s19 =	sshrl.u32 s17, $0x1;
	s15 =	sshll.u32 s15, $0x5  }
0x13: {  	s17 =	ssub.s32 s17, s19;
	s8 =	sadd.s32 s8, s15;
	s9 =	sadd.s32 s9, s15  }
0x14: {  	s31 =	sadd.s32 s12, s18;
	s18 =	simm.s32 $0x100;
	s19 =	simm.s32 $0x17C00  }
0x15: {  	s10 =	sadd.s32 s10, s16;
	s11 =	sadd.s32 s11, s16;
	s12 =	smax.u32 s17, $0x1  }
0x16: {  	s15 =	sshrl.u32 s31, $0x3;
	s16 =	simm.s32 $0x2;
	s17 =	simm.s32 $0x17B00  }
0x17: {  	s13 =	sadd.s32 s15, s13;
	s14 =	sadd.s32 s15, s14;
	s15 =	simm.s32 $0x17A00  }
.LBB2_1:
0x18: {  	[tilespmem:s15], [sflag:$0x2] =	stream.linear.gather [hbm4b:s8+s5], $0x100, $0x38;
	[tilespmem:$0x18C00] =	vst v63  }
0x19: {  	_ =	swait.ge [sflag:s16], $0x100  }
0x1a: {  	[sflag:s16] =	ssyncset.done $0x0  }
0x1b: {  	[sflag:s16] =	ssyncadd.s32 $0xFFFFFF00  }
0x1c: {  	[tilespmem:s17], [sflag:$0x2] =	stream.linear.gather [hbm4b:s9+s5], $0x100, $0x38;
	[tilespmem:$0x18C00] =	vst v63  }
0x1d: {  	_ =	swait.ge [sflag:s16], $0x100  }
0x1e: {  	[sflag:s16] =	ssyncset.done $0x0  }
0x1f: {  	[sflag:s16] =	ssyncadd.s32 $0xFFFFFF00  }
0x20: {  	[tilespmem:s19], [sflag:$0x1] =	stream.indirect.gather [hbm4b:s6+s18], $0x10, s15, s18, $0xb8;
	[tilespmem:$0x18C00] =	vst v63  }
0x21: {  	_ =	swait.ge [sflag:s20], $0x1000  }
0x22: {  	[sflag:s20] =	ssyncset.done $0x0  }
0x23: {  	[sflag:s20] =	ssyncadd.s32 $0xFFFFF000  }
0x24: {  	[hbm4b:s4+s18] =	stream.indirect.scatter [tilespmem:s19], [sflag:$0x1], $0x10, s17, s18, $0xb8;
	[tilespmem:$0x18C00] =	vst v63  }
0x25: {  	_ =	swait.ge [sflag:s20], $0x1000  }
0x26: {  	[sflag:s20] =	ssyncset.done $0x0  }
0x27: {  	[sflag:s20] =	ssyncadd.s32 $0xFFFFF000  }
0x28: {  	[tilespmem:s21], [sflag:$0x2] =	stream.linear.gather [hbm4b:s10+s5], $0xD00, $0x38;
	[tilespmem:$0x18C00] =	vst v63  }
0x29: {  	_ =	swait.ge [sflag:s16], $0xD00  }
0x2a: {  	[sflag:s16] =	ssyncset.done $0x0  }
0x2b: {  	[sflag:s16] =	ssyncadd.s32 $0xFFFFF300  }
0x2c: {  	[tilespmem:s22], [sflag:$0x2] =	stream.linear.gather [hbm4b:s11+s5], $0xD00, $0x38;
	[tilespmem:$0x18C00] =	vst v63  }
0x2d: {  	_ =	swait.ge [sflag:s16], $0xD00  }
0x2e: {  	[sflag:s16] =	ssyncset.done $0x0  }
0x2f: {  	[sflag:s16] =	ssyncadd.s32 $0xFFFFF300  }
0x30: {  	[tilespmem:s24], [sflag:$0x1] =	stream.indirect.gather [hbm4b:s7+s23], $0x10, s21, s23, $0xb8;
	[tilespmem:$0x18C00] =	vst v63  }
0x31: {  	_ =	swait.ge [sflag:s20], $0xD000  }
0x32: {  	[sflag:s20] =	ssyncset.done $0x0  }
0x33: {  	[sflag:s20] =	ssyncadd.s32 $0xFFFF3000  }
0x34: {  	[hbm4b:s3+s23] =	stream.indirect.scatter [tilespmem:s24], [sflag:$0x1], $0x10, s22, s23, $0xb8;
	[tilespmem:$0x18C00] =	vst v63  }
0x35: {  	_ =	swait.ge [sflag:s20], $0xD000  }
0x36: {  	[sflag:s20] =	ssyncset.done $0x0  }
0x37: {  	s29 =	sadd.s32 $0x0, s14;
	[sflag:s20] =	ssyncadd.s32 $0xFFFF3000  }
0x38: {  	[tilespmem:s5], [sflag:$0x2] =	stream.linear.gather [hbm4b:s29+s5], $0x800, $0x38;
	[tilespmem:$0x18C00] =	vst v63  }
0x39: {  	_ =	swait.ge [sflag:s16], $0x800  }
0x3a: {  	[sflag:s16] =	ssyncset.done $0x0  }
0x3b: {  	s29 =	sadd.s32 $0x0, s13;
	[sflag:s16] =	ssyncadd.s32 $0xFFFFF800  }
0x3c: {  	[tilespmem:s25], [sflag:$0x2] =	stream.linear.gather [hbm4b:s29+s5], $0x800, $0x38;
	[tilespmem:$0x18C00] =	vst v63  }
0x3d: {  	_ =	swait.ge [sflag:s16], $0x800  }
0x3e: {  	[sflag:s16] =	ssyncset.done $0x0  }
0x3f: {  	[sflag:s16] =	ssyncadd.s32 $0xFFFFF800  }
0x40: {  	[tilespmem:s26], [sflag:$0x1] =	stream.indirect.gather [hbm4b:s6+s25], $0x10, s5, s25, $0xb8;
	[tilespmem:$0x18C00] =	vst v63  }
0x41: {  	_ =	swait.ge [sflag:s20], $0x8000  }
0x42: {  	[sflag:s20] =	ssyncset.done $0x0  }
0x43: {  	[sflag:s20] =	ssyncadd.s32 $0xFFFF8000  }
0x44: {  	[hbm4b:s1+s25] =	stream.indirect.scatter [tilespmem:s26], [sflag:$0x1], $0x10, s25, s25, $0xb8;
	[tilespmem:$0x18C00] =	vst v63  }
0x45: {  	_ =	swait.ge [sflag:s20], $0x8000  }
0x46: {  	s30 =	simm.s32 $0x200;
	s29 =	simm.s32 $0x100;
	[sflag:s20] =	ssyncset.done $0x0  }
.LBB2_2:
0x47: {  	s31 =	sadd.s32 s29, s14  }
0x48: {  	[sflag:s20] =	ssyncadd.s32 $0xFFFF8000;
	s0 =	smov.u32 s30;
	s2 =	sadd.s32 $0x100, s30  }
0x49: {  	[tilespmem:s5], [sflag:$0x2] =	stream.linear.gather [hbm4b:s31+s5], $0x800, $0x38;
	[tilespmem:$0x18C00] =	vst v63  }
0x4a: {  	p0 =	sne.s32 s30, $0x1800;
	_ =	swait.ge [sflag:s16], $0x800  }
0x4b: {  	[sflag:s16] =	ssyncset.done $0x0  }
0x4c: {  	s30 =	sadd.s32 s29, s13;
	s29 =	smov.u32 s0;
	[sflag:s16] =	ssyncadd.s32 $0xFFFFF800  }
0x4d: {  	[tilespmem:s25], [sflag:$0x2] =	stream.linear.gather [hbm4b:s30+s5], $0x800, $0x38;
	[tilespmem:$0x18C00] =	vst v63  }
0x4e: {  	_ =	swait.ge [sflag:s16], $0x800  }
0x4f: {  	[sflag:s16] =	ssyncset.done $0x0  }
0x50: {  	[sflag:s16] =	ssyncadd.s32 $0xFFFFF800  }
0x51: {  	[tilespmem:s26], [sflag:$0x1] =	stream.indirect.gather [hbm4b:s6+s25], $0x10, s5, s25, $0xb8;
	[tilespmem:$0x18C00] =	vst v63  }
0x52: {  	_ =	swait.ge [sflag:s20], $0x8000  }
.Ltmp0:
0x53: {  	[sflag:s20] =	ssyncset.done $0x0;
	(pc) =	sbr.rel @p0 .LBB2_2-.Ltmp0, $4  }
0x54: {  	[sflag:s20] =	ssyncadd.s32 $0xFFFF8000  }
0x55: {  	[hbm4b:s1+s25] =	stream.indirect.scatter [tilespmem:s26], [sflag:$0x1], $0x10, s25, s25, $0xb8;
	[tilespmem:$0x18C00] =	vst v63  }
0x56: {  	_ =	swait.ge [sflag:s20], $0x8000  }
0x57: {  	s30 =	smov.u32 s2;
	[sflag:s20] =	ssyncset.done $0x0  }
0x58: {  	s0 =	sadd.s32 s29, s14;
	[sflag:s20] =	ssyncadd.s32 $0xFFFF8000  }
0x59: {  	[tilespmem:s5], [sflag:$0x2] =	stream.linear.gather [hbm4b:s0+s5], $0x800, $0x38;
	[tilespmem:$0x18C00] =	vst v63  }
0x5a: {  	_ =	swait.ge [sflag:s16], $0x800  }
0x5b: {  	[sflag:s16] =	ssyncset.done $0x0  }
0x5c: {  	s31 =	sadd.s32 s29, s13;
	[sflag:s16] =	ssyncadd.s32 $0xFFFFF800  }
0x5d: {  	[tilespmem:s25], [sflag:$0x2] =	stream.linear.gather [hbm4b:s31+s5], $0x800, $0x38;
	[tilespmem:$0x18C00] =	vst v63  }
0x5e: {  	_ =	swait.ge [sflag:s16], $0x800  }
0x5f: {  	[sflag:s16] =	ssyncset.done $0x0  }
0x60: {  	[sflag:s16] =	ssyncadd.s32 $0xFFFFF800  }
0x61: {  	[tilespmem:s26], [sflag:$0x1] =	stream.indirect.gather [hbm4b:s6+s25], $0x10, s5, s25, $0xb8;
	[tilespmem:$0x18C00] =	vst v63  }
0x62: {  	s28 =	sadd.s32 $0x1, s28;
	_ =	swait.ge [sflag:s20], $0x8000  }
0x63: {  	p0 =	sne.s32 s28, s12;
	[sflag:s20] =	ssyncset.done $0x0  }
.Ltmp1:
0x64: {  	[sflag:s20] =	ssyncadd.s32 $0xFFFF8000;
	(pc) =	sbr.rel @p0 .LBB2_1-.Ltmp1, $4  }
0x65: {  	[hbm4b:s1+s25] =	stream.indirect.scatter [tilespmem:s26], [sflag:$0x1], $0x10, s25, s25, $0xb8;
	[tilespmem:$0x18C00] =	vst v63  }
0x66: {  	_ =	swait.ge [sflag:s20], $0x8000  }
0x67: {  	[sflag:s20] =	ssyncset.done $0x0  }
0x68: {  	[sflag:s20] =	ssyncadd.s32 $0xFFFF8000  }
0x69: {  	_ =	sfence.sel $0x180000  }
0x6a: {  	[bflag:$0x0] =	sbarrier.arrive $0xFFFF  }
0x6b: {  	_ =	strace $0x90000047  }
0x6c: {  	s0 =	stileid.u32;
	[bflag:$0x2] =	sbarrier.arrive $0xFFFF  }
0x6d: {  	p0 =	sne.s32 s0, $0x0;
	s0 =	rddreg [dreg:$0xa]  }
0x6e: {  	s0 =	sadd.s32 @!p0 $0x100000, s0  }
0x6f: {  	[sflag:s0] =	ssyncadd.tile.s32 @!p0 $0x1;
	_ =	shalt  }
.Lfunc_end2:
_tile_overlayer_lowered:
.L_overlay_start_2:
0x70: {  	(tag) =	ssettag $0x2  }
0x71: {  	s0 =	rddreg [dreg:$0x0];
	s2 =	stileid.u32  }
0x72: {  	s1 =	rddreg [dreg:$0x1];
	p0 =	sne.s32 s2, $0x0  }
0x73: {  	s3 =	rddreg [dreg:$0x2];
	[bflag:$0x3] =	sbarrier.arrive $0xFFFF;
	s2 =	simm.s32 @!p0 $0x1C02  }
0x74: {  	[timem:s3], [sflag:s2] =	dma.local @!p0 [hbm:s0], s1  }
0x75: {  	s0 =	simm.s32 @!p0 $0x2  }
0x76: {  	_ =	swait.ge @!p0 [sflag:s0], s1  }
0x77: {  	s1 =	ssub.s32 @!p0 $0x0, s1;
	[sflag:s0] =	ssyncset.done @!p0 $0x0  }
0x78: {  	[sflag:s0] =	ssyncadd.s32 @!p0 s1  }
0x79: {  	[bflag:$0x3] =	sbarrier.arrive $0xFFFF  }
0x7a: {  	_ =	shalt  }

// kernel: sparse-core-data-format-call.cloned.1.call-start
scs
called_computation_lowered:
.L_overlay_start_0:
0x0: {  	s2 =	sld [smem:$0x3FD9]  }
0x1: {  	s3 =	sld [smem:$0x3FFE];
	_ =	sdelay $0x1  }
0x2: {  	s1 =	srdreg.scid  }
0x3: {  	s0 =	sand.u32 $0x1, s1  }
0x4: {  	s15 =	sshll.u32 s0, $0xA;
	s2 =	sadd.s32 s3, s2  }
0x5: {  	s2 =	sadd.s32 s2, s15  }
0x6: {  	[smem:$0x3FC0] =	sst s2  }
0x7: {  	_ = 	snop  }
0x8: {  	s2 =	sld [smem:$0x3FD0];
	_ =	sdelay $0x2  }
0x9: {  	s16 =	simm.s32 $0xA;
	s4 =	simm.s32 $0x10  }
0xa: {  	[smem:s4], [sflag:s16] =	dma.local [hbm:s2], $0x1  }
0xb: {  	_ =	swait.eq [sflag:s16], $0x1  }
0xc: {  	[sflag:s16] =	ssyncset.done $0x0  }
0xd: {  	[sflag:s16] =	ssyncadd.s32 $0xFFFFFFFF  }
0xe: {  	s17 =	sld [smem:$0x10];
	(tm) =	ssettm $0x1  }
0xf: {  	s18 =	sld [smem:$0x3FFB];
	_ =	sdelay $0x3  }
0x10: {  	_ =	strace s18  }
0x11: {  	s3 =	sld [smem:$0x3FFC];
	_ =	sdelay $0x3  }
0x12: {  	_ =	strace s3  }
0x13: {  	s3 =	sld [smem:$0x3FFD];
	_ =	sdelay $0x3  }
0x14: {  	_ =	strace s3  }
0x15: {  	_ =	strace $0x8FFFFFFF  }
0x16: {  	s19 =	sld [smem:$0x3FDB];
	_ =	sdelay $0x1  }
0x17: {  	s20 =	simm.s32 $_scs_section_size  }
0x18: {  	s5 =	simm.s32 $_size__tile_overlayer_lowered;
	s6 =	simm.s32 $_tile_overlayer_lowered  }
0x19: {  	s23 =	simm.s32 $0x1BFF;
	s22 =	sshll.u32 s6, $0x1;
	s3 =	sadd.s32 s20, s19  }
0x1a: {  	s7 =	simm.s32 $0x0;
	s21 =	sshll.u32 s5, $0x1;
	s5 =	sadd.s32 s22, s3  }
0x1b: {  	[timem:s7], [sflag:s23] =	dma.local [hbm:s5], s21  }
0x1c: {  	_ =	swait.ge [sflag:s23], s21  }
0x1d: {  	s4 =	ssub.s32 $0x0, s21;
	[sflag:s23] =	ssyncset.done $0x0  }
0x1e: {  	[sflag:s23] =	ssyncadd.s32 s4;
	_ =	sdelay $0x1  }
0x1f: {  	s24 =	simm.s32 $0x1B8B  }
0x20: {  	_ =	swait.ge [sflag:s24], $0x1  }
0x21: {  	[sflag:s24] =	ssyncset.done $0x0  }
0x22: {  	s26 =	simm.s32 $0x1B8E;
	s25 =	sld [smem:$0x3FFE];
	[sflag:s24] =	ssyncadd.s32 $0xFFFFFFFF  }
0x23: {  	s27 =	simm.s32 $execute0_lowered;
	[smem:$0x3FD2] =	sst s26  }
0x24: {  	s5 =	sshll.u32 s27, $0x1;
	_ =	strace $0x80000049;
	[dreg:$0x1] =	wrdreg $0xFFFFFFFF  }
0x25: {  	s28 =	simm.s32 $_size_execute0_lowered;
	s3 =	sadd.s32 s3, s5;
	[dreg:$0x0] =	wrdreg $0x0  }
0x26: {  	s5 =	sshll.u32 s28, $0x1;
	[dreg:$0x2] =	wrdreg s3  }
0x27: {  	[dreg:$0x3] =	wrdreg s5  }
0x28: {  	[dreg:$0x4] =	wrdreg $0xC0  }
0x29: {  	_ =	task [dreg:s7], $0x5FFFF  }
0x2a: {  	[dreg:$0x1] =	wrdreg $0xFFFFFFFF  }
0x2b: {  	[dreg:$0x0] =	wrdreg $0x60  }
0x2c: {  	[dreg:$0x2] =	wrdreg s25  }
0x2d: {  	[dreg:$0x3] =	wrdreg s17  }
0x2e: {  	[dreg:$0x4] =	wrdreg $0x9  }
0x2f: {  	_ =	task.clear_ibuf [dreg:s7], $0x5FFFF;
	_ =	strace $0x90000049  }
0x30: {  	s29 =	simm.s32 $0x9;
	_ =	strace $0x8000004B  }
0x31: {  	_ =	swait.ge [sflag:s29], $0x1  }
0x32: {  	[sflag:s29] =	ssyncadd.s32 $0xFFFFFFFF  }
0x33: {  	_ =	strace $0x9000004B  }
0x34: {  	_ =	sfence  }
0x35: {  	s30 =	sld [smem:$0x0];
	_ =	sdelay $0x2  }
0x36: {  	s31 =	sshll.u32 s1, $0xD;
	s1 =	sshrl.u32 s1, $0x2  }
0x37: {  	s3 =	sand.u32 $0x4000, s31;
	s1 =	sadd.s32 s1, s30  }
0x38: {  	s0 =	sor.u32 s3, s0;
	s1 =	sshll.u32 s1, $0x11  }
0x39: {  	s0 =	sor.u32 s1, s0  }
0x3a: {  	s0 =	sadd.s32 $0x8F2B, s0  }
0x3b: {  	[sflag:s0] =	ssyncadd.remote.s32 $0x1  }
0x3c: {  	_ =	sfence.sel $0xFFFF  }
0x3d: {  	[dreg:$0x0] =	wrdreg $0xFFFFFFFF;
	(pc) =	sbr.abs _section_cstart, $3  }
0x3e: {  	[dreg:$0x1] =	wrdreg $0xFFFFFFFF  }
0x3f: {  	_ =	task.clear_ibuf [dreg:s7], $0x2FFFF;
	_ =	strace $0x9FFFFFFF  }
0x40: {  	(tm) =	ssettm $0x7FFFFFFF  }
0x41: {  	_ =	shalt  }
tec
execute0_lowered:
.L_overlay_start_1:
0x0: {  	(tag) =	ssettag $0x1  }
0x1: {  	s0 =	srdreg.scid  }
0x2: {  	s1 =	sshll.u32 s0, $0x4  }
0x3: {  	s4 =	rddreg [dreg:$0x0];
	s0 =	stileid.u32;
	s1 =	sand.u32 $0x10, s1  }
0x4: {  	s2 =	rddreg [dreg:$0x1];
	s7 =	simm.s32 $0x1;
	s1 =	sor.u32 s0, s1  }
0x5: {  	s8 =	simm.s32 $0x2;
	s11 =	simm.s32 $0x0;
	s3 =	sshll.u32 s1, $0x7  }
0x6: {  	s10 =	simm.s32 $0x0;
	s4 =	sadd.s32 $0x1000, s4;
	s6 =	ssub.s32 $0x190000, s3  }
.Ltmp0:
0x7: {  	s1 =	rddreg [dreg:$0x2];
	s5 =	sand.u32 $0xF80, s6;
	(pc) =	sbr.rel .LBB1_1-.Ltmp0, $4  }
0x8: {  	_ =	strace $0x8000004A;
	s9 =	smov.u32 s3;
	p0 =	sne.s32 s5, $0x0  }
0x9: {  	s6 =	sshrl.u32 s6, $0xC;
	s5 =	simm.s32 $0x1;
	s7 =	simm.s32 @!p0 $0x0  }
0xa: {  	[sflag:s5] =	ssyncpa.u1 $0x0;
	p0 =	por $0x0, $0x0;
	s6 =	sadd.s32 s7, s6  }
0xb: {  	[sflag:s8] =	ssyncpa.u1 $0x0;
	s8 =	simm.s32 $0xC80000;
	s7 =	sadd.s32 $0x1, s6  }
.LBB1_4:
0xc: {  	s14 =	sshll.u32 s11, $0x3  }
0xd: {  	s30 =	sand.u32 $0x7F, s11;
	s15 =	sand.u32 $0xFFFFFC00, s14  }
0xe: {  	s11 =	sor.u32 s30, s15  }
0xf: {  	s15 =	smulhi.u32 $0x51EB851F, s11  }
0x10: {  	s14 =	smulhi.u32 $0x51EB851F, s14  }
0x11: {  	s15 =	sshrl.u32 s15, $0x13  }
0x12: {  	s14 =	sshrl.u32 s14, $0x13;
	s15 =	smul.u32 $0x190000, s15  }
0x13: {  	[tilespmem:s12+$0xFFFFFFFC ss:$0x81] =	vst.msk $0xffff, v1;
	s14 =	sand.u32 $0xF, s14  }
0x14: {  	[tilespmem:s12+$0xFFFFFFFD ss:$0x81] =	vst.msk $0xffff, v2;
	s14 =	smul.u32 $0x32000, s14;
	s11 =	ssub.s32 s11, s15  }
0x15: {  	[tilespmem:s12+$0xFFFFFFFE ss:$0x81] =	vst.msk $0xffff, v0;
	s15 =	sand.u32 $0x7, s11  }
0x16: {  	[tilespmem:s12+$0xFFFFFFFF ss:$0x81] =	vst.msk $0xffff, v4;
	s14 =	sadd.s32 s2, s14;
	s11 =	sshrl.u32 s11, $0x3;
	s15 =	sshll.u32 s15, $0x12  }
0x17: {  	[tilespmem:s12+$0xFFFFFFF9 ss:$0x81] =	vst.msk $0xffff, v3;
	s11 =	sadd.s32 s11, s14;
	s31 =	sor.u32 $0x400, s15  }
0x18: {  	[hbm4b:s11+s31] =	stream.strided.scatter [tilespmem:s13], [sflag:$0x2], $0x800, s8, s31, $0x20;
	[tilespmem:$0x2020] =	vst v63  }
.LBB1_5:
0x19: {  	s13 =	sadd.s32 $0x1000, s9  }
0x1a: {  	p2 =	sgt.s32 s13, $0x18FFFF  }
0x1b: {  	s13 =	smov.u32 @p2 s3;
	p2 =	sne.s32 s10, s7  }
.Ltmp1:
0x1c: {  	p1 =	slt.u32 s10, $0x2;
	(pc) =	sbr.rel @!p2 .LBB1_6-.Ltmp1, $4  }
0x1d: {  	s12 =	simm.s32 @!p1 $0x2  }
0x1e: {  	s14 =	sadd.s32 $0x1, s10;
	_ =	swait.ge @!p1 [sflag:s12], $0x800  }
0x1f: {  	s11 =	smov.u32 s9;
	p0 =	por !p0, !p0;
	[sflag:s12] =	ssyncset.done @!p1 $0x0  }
0x20: {  	s10 =	smov.u32 s14;
	s9 =	smov.u32 s13;
	[sflag:s12] =	ssyncadd.s32 @!p1 $0xFFFFF800  }
.LBB1_1:
0x21: {  	p1 =	sge.u32 s10, s6  }
0x22: {  	s12 =	sand.u32 @!p1 $0x1FFFFFF, s9  }
0x23: {  	s13 =	smulhi.u32 @!p1 $0x147AE15, s12;
	_ =	sdelay $0x1  }
0x24: {  	s13 =	sshrl.u32 @!p1 s13, $0xD  }
0x25: {  	s13 =	smul.u32 @!p1 $0x190000, s13;
	_ =	sdelay $0x1  }
0x26: {  	s31 =	sadd.s32 $0xFFFFFFFF, s10;
	s14 =	sxor.u32 @!p1 $0xFFFFFFFF, s10;
	s12 =	ssub.s32 @!p1 s12, s13  }
0x27: {  	s15 =	simm.s32 @!p1 $0x80;
	s14 =	sshll.u32 @!p1 s14, $0xB;
	s12 =	sshll.u32 @!p1 s12, $0x4  }
0x28: {  	s13 =	sand.u32 @!p1 $0x800, s14;
	s14 =	simm.s32 @!p1 $0x10;
	s12 =	sadd.s32 @!p1 s4, s12  }
0x29: {  	[tilespmem:s13], [sflag:$0x1] =	stream.strided.gather @!p1 [hbm4b:s12+s14], $0x800, s15, s14, $0x38;
	[tilespmem:$0x2020] =	vst v63  }
0x2a: {  	p1 =	sge.u32 s31, s6  }
.Ltmp2:
0x2b: {  	_ = 	snop;
	(pc) =	sbr.rel @p1 .LBB1_5-.Ltmp2, $1  }
0x2c: {  	_ =	sdelay $0x3  }
0x2d: {  	s12 =	simm.s32 $0x1  }
0x2e: {  	_ =	swait.ge [sflag:s5], $0x800;
	s12 =	simm.s32 @!p0 $0x0  }
0x2f: {  	[sflag:s5] =	ssyncset.done $0x0;
	s13 =	sshll.u32 s12, $0xB  }
0x30: {  	[sflag:s5] =	ssyncadd.s32 $0xFFFFF800;
	s15 =	sor.u32 $0x40, s13  }
0x31: {  	v3 =	vld [tilespmem:s15+$0x30]  }
0x32: {  	s12 =	smul.u32 $0x2040, s12;
	v4 =	vld [tilespmem:s15+$0xFFFFFFD0]  }
0x33: {  	v5 =	vld [tilespmem:s15+$0xFFFFFFE0]  }
0x34: {  	s31 =	sand.u32 $0x1, s10;
	s12 =	sshrl.u32 s12, $0x2;
	v1 =	vld [tilespmem:s15+$0xFFFFFFF0]  }
0x35: {  	s13 =	smul.u32 $0x2040, s31;
	v2 =	vld [tilespmem:s15+$0x0];
	s12 =	sor.u32 $0x1007, s12  }
0x36: {  	v0 =	vld [tilespmem:s15+$0x10];
	[tilespmem:s12+$0x0 ss:$0x81] =	vst.msk $0xffff, v3  }
0x37: {  	s13 =	sshrl.u32 s13, $0x2;
	[tilespmem:s12+$0xFFFFFFFA ss:$0x81] =	vst.msk $0xffff, v4;
	v4 =	vld [tilespmem:s15+$0x20]  }
0x38: {  	s14 =	simm.s32 $0x0;
	s13 =	sor.u32 $0x1000, s13;
	v3 =	vld [tilespmem:s15+$0xFFFFFFC0];
	[tilespmem:s12+$0xFFFFFFFB ss:$0x81] =	vst.msk $0xffff, v5;
	s15 =	sadd.s32 $0x80, s15  }
.LBB1_3:
0x39: {  	v5 =	vld [tilespmem:s15+$0x30];
	s14 =	sadd.s32 $0x8, s14;
	[tilespmem:s12+$0xFFFFFFFC ss:$0x81] =	vst.msk $0xffff, v1  }
0x3a: {  	v6 =	vld [tilespmem:s15+$0xFFFFFFD0];
	p1 =	slt.u32 s14, $0x78;
	[tilespmem:s12+$0xFFFFFFFD ss:$0x81] =	vst.msk $0xffff, v2  }
0x3b: {  	v7 =	vld [tilespmem:s15+$0xFFFFFFE0];
	[tilespmem:s12+$0xFFFFFFFE ss:$0x81] =	vst.msk $0xffff, v0  }
.Ltmp3:
0x3c: {  	v1 =	vld [tilespmem:s15+$0xFFFFFFF0];
	[tilespmem:s12+$0xFFFFFFFF ss:$0x81] =	vst.msk $0xffff, v4;
	(pc) =	sbr.rel @p1 .LBB1_3-.Ltmp3, $4  }
0x3d: {  	v2 =	vld [tilespmem:s15+$0x0];
	[tilespmem:s12+$0xFFFFFFF9 ss:$0x81] =	vst.msk $0xffff, v3;
	s12 =	sadd.s32 $0x8, s12  }
0x3e: {  	v0 =	vld [tilespmem:s15+$0x10];
	[tilespmem:s12+$0x0 ss:$0x81] =	vst.msk $0xffff, v5  }
0x3f: {  	[tilespmem:s12+$0xFFFFFFFA ss:$0x81] =	vst.msk $0xffff, v6;
	v4 =	vld [tilespmem:s15+$0x20]  }
0x40: {  	v3 =	vld [tilespmem:s15+$0xFFFFFFC0];
	[tilespmem:s12+$0xFFFFFFFB ss:$0x81] =	vst.msk $0xffff, v7;
	s15 =	sadd.s32 $0x80, s15  }
.Ltmp4:
0x41: {  	_ = 	snop;
	(pc) =	sbr.rel .LBB1_4-.Ltmp4, $1  }
0x42: {  	_ =	sdelay $0x3  }
.LBB1_6:
0x43: {  	_ =	sfence.sel $0x180000  }
0x44: {  	s2 =	simm.s32 $0x1;
	[bflag:$0x0] =	sbarrier.arrive $0xFFFF  }
0x45: {  	s31 =	simm.s32 $0x2;
	[sflag:s2] =	ssyncpa.u1 $0x1  }
0x46: {  	[sflag:s31] =	ssyncpa.u1 $0x1  }
0x47: {  	p0 =	sne.s32 s0, $0x0;
	_ =	strace $0x9000004A  }
0x48: {  	s0 =	sadd.s32 @!p0 $0x100000, s1;
	[bflag:$0x2] =	sbarrier.arrive $0xFFFF  }
0x49: {  	[sflag:s0] =	ssyncadd.tile.s32 @!p0 $0x1;
	_ =	shalt  }
.Lfunc_end1:
_tile_overlayer_lowered:
.L_overlay_start_2:
0x4a: {  	(tag) =	ssettag $0x2  }
0x4b: {  	s0 =	rddreg [dreg:$0x0];
	s2 =	stileid.u32  }
0x4c: {  	s1 =	rddreg [dreg:$0x1];
	p0 =	sne.s32 s2, $0x0  }
0x4d: {  	s3 =	rddreg [dreg:$0x2];
	[bflag:$0x3] =	sbarrier.arrive $0xFFFF;
	s2 =	simm.s32 @!p0 $0x1C01  }
0x4e: {  	[timem:s3], [sflag:s2] =	dma.local @!p0 [hbm:s0], s1  }
0x4f: {  	s0 =	simm.s32 @!p0 $0x1  }
0x50: {  	_ =	swait.ge @!p0 [sflag:s0], s1  }
0x51: {  	s1 =	ssub.s32 @!p0 $0x0, s1;
	[sflag:s0] =	ssyncset.done @!p0 $0x0  }
0x52: {  	[sflag:s0] =	ssyncadd.s32 @!p0 s1  }
0x53: {  	[bflag:$0x3] =	sbarrier.arrive $0xFFFF  }
0x54: {  	_ =	shalt  }

</sc_bundles>
